<compile_context>
chip_gen: v7x
topology: tpu7x:2x2x1
jax: 0.10.2.dev20260603
libtpu: 0.0.44.dev20260713+nightly
codegen_flags: <defaults>
</compile_context>

<pallas_src>
import functools

import jax
import jax.numpy as jnp
from jax.experimental import pallas as pl

N_E = 8192
E_DIM = 64
K = 256
ROW_BLK = 256


def _d_kernel(z_ref, e_ref, d_ref):
    z = z_ref[...]
    e = e_ref[...]
    zsq = jnp.sum(z * z, axis=1, keepdims=True)
    esq = jnp.sum(e * e, axis=1, keepdims=True).T
    dot = jax.lax.dot_general(
        z, e, (((1,), (1,)), ((), ())), preferred_element_type=jnp.float32
    )
    d_ref[...] = zsq + esq - 2.0 * dot


def kernel(z, embedding_weight):
    B, C, H, W = z.shape
    zp = jnp.transpose(z, (0, 2, 3, 1))
    z_flat = zp.reshape(-1, E_DIM)
    n = z_flat.shape[0]

    d = pl.pallas_call(
        _d_kernel,
        grid=(n // ROW_BLK,),
        in_specs=[
            pl.BlockSpec((ROW_BLK, E_DIM), lambda i: (i, 0)),
            pl.BlockSpec((N_E, E_DIM), lambda i: (0, 0)),
        ],
        out_specs=pl.BlockSpec((ROW_BLK, N_E), lambda i: (i, 0)),
        out_shape=jax.ShapeDtypeStruct((n, N_E), jnp.float32),
    )(z_flat, embedding_weight)

    neg_vals, sorted_indices = jax.lax.top_k(-d, K)
    thresh = -neg_vals[:, -1]
    lt = d < thresh[:, None]
    eq = d == thresh[:, None]
    n_less = jnp.sum(lt, axis=1, keepdims=True)
    tie_rank = jnp.cumsum(eq.astype(jnp.int32), axis=1)
    min_encodings = (lt | (eq & (tie_rank <= K - n_less))).astype(jnp.float32)

    z_q = jnp.matmul(min_encodings, embedding_weight)
    z_q = z_q.reshape(B, H, W, C)
    z_q = jnp.transpose(z_q, (0, 3, 1, 2))

    e_mean = jnp.mean(min_encodings, axis=0)
    perplexity = jnp.exp(-jnp.sum(e_mean * jnp.log(e_mean + 1e-10)))

    return (z_q, perplexity, min_encodings, sorted_indices, d, embedding_weight)

# --- scband reference (transcript-rebuilt; emitter-appended) ---
"""Pipeline reference for scband-vector-quantizer-30640296690494 (READ-ONLY COPY).

The authoritative reference and input builder live on the scoring server;
editing this copy changes nothing except your own understanding.
"""

import jax, jax.numpy as jnp
import numpy as np

N_E = 8192
E_DIM = 64
OUTPUT_E_DIM = 256


def setup_inputs(seed: int = 0) -> dict:
    key = jax.random.key(seed)
    k1, k2 = jax.random.split(key)
    z = jax.random.normal(k1, (8, 64, 32, 32), dtype=jnp.float32)
    embedding_weight = jax.random.uniform(
        k2, (N_E, E_DIM), minval=-1.0 / N_E, maxval=1.0 / N_E, dtype=jnp.float32
    )
    return {"z": z, "embedding_weight": embedding_weight}


def reference(z, embedding_weight):
    # z: (B, C, H, W) with C == e_dim; use_pos_embedding is False
    n_e, e_dim = embedding_weight.shape
    zp = jnp.transpose(z, (0, 2, 3, 1))  # (B, H, W, C)
    z_flat = zp.reshape(-1, e_dim)  # (N, e_dim)
    d = (
        jnp.sum(z_flat ** 2, axis=1, keepdims=True)
        + jnp.sum(embedding_weight ** 2, axis=1)
        - 2.0 * jnp.matmul(z_flat, embedding_weight.T)
    )  # (N, n_e)
    sorted_indices = jnp.argsort(d, axis=1)[:, :OUTPUT_E_DIM]  # (N, output_e_dim)
    rows = jnp.arange(z_flat.shape[0])[:, None]
    min_encodings = jnp.zeros((z_flat.shape[0], n_e), dtype=z_flat.dtype)
    min_encodings = min_encodings.at[rows, sorted_indices].set(1.0)
    z_q = jnp.matmul(min_encodings, embedding_weight)  # (N, e_dim)
    z_q = z_q.reshape(zp.shape)  # (B, H, W, C)
    e_mean = jnp.mean(min_encodings, axis=0)
    perplexity = jnp.exp(-jnp.sum(e_mean * jnp.log(e_mean + 1e-10)))
    z_q = jnp.transpose(z_q, (0, 3, 1, 2))  # (B, C, H, W)
    return (z_q, perplexity, min_encodings, sorted_indices, d, embedding_weight)

if __name__ == "__main__":
    import jax
    _d = setup_inputs()
    print(jax.jit(kernel)(*tuple(_d.values())))

</pallas_src>

<mosaic_0001>
module attributes {stable_mosaic.version = 14 : i64} {
  func.func @_d_kernel(%arg0: i32, %arg1: memref<256x64xf32, #tpu.memory_space<vmem>>, %arg2: memref<8192x64xf32, #tpu.memory_space<vmem>>, %arg3: memref<256x8192xf32, #tpu.memory_space<vmem>>) attributes {dimension_semantics = [#tpu.dimension_semantics<arbitrary>], iteration_bounds = array<i64: 32>, scalar_prefetch = 0 : i64, scratch_operands = 0 : i64, tpu.core_type = #tpu.core_type<tc>, window_params = [{transform_indices = @transform_0, window_bounds = array<i64: 256, 64>}, {pipeline_mode = #tpu.pipeline_mode<synchronous>, transform_indices = @transform_1, window_bounds = array<i64: 8192, 64>}, {transform_indices = @transform_2, window_bounds = array<i64: 256, 8192>}]} {
    %get3A = arith.constant 0 : index
    %get3A_0 = arith.constant 0 : index
    %get3A_1 = vector.load %arg1[%get3A, %get3A_0] : memref<256x64xf32, #tpu.memory_space<vmem>>, vector<256x64xf32>
    %get3A_2 = arith.constant 0 : index
    %get3A_3 = arith.constant 0 : index
    %get3A_4 = vector.load %arg2[%get3A_2, %get3A_3] : memref<8192x64xf32, #tpu.memory_space<vmem>>, vector<8192x64xf32>
    %mul3A = arith.mulf %get3A_1, %get3A_1 : vector<256x64xf32>
    %reduce_sum3A = arith.constant dense<0.000000e+00> : vector<256xf32>
    %reduce_sum3A_5 = vector.multi_reduction <add>, %mul3A, %reduce_sum3A [1] : vector<256x64xf32> to vector<256xf32>
    %broadcast_in_dim3A = vector.shape_cast %reduce_sum3A_5 : vector<256xf32> to vector<256x1xf32>
    %mul3A_6 = arith.mulf %get3A_4, %get3A_4 : vector<8192x64xf32>
    %reduce_sum3A_7 = arith.constant dense<0.000000e+00> : vector<8192xf32>
    %reduce_sum3A_8 = vector.multi_reduction <add>, %mul3A_6, %reduce_sum3A_7 [1] : vector<8192x64xf32> to vector<8192xf32>
    %broadcast_in_dim3A_9 = vector.shape_cast %reduce_sum3A_8 : vector<8192xf32> to vector<8192x1xf32>
    %transpose3A = tpu.transpose %broadcast_in_dim3A_9, [1, 0] : vector<8192x1xf32> -> vector<1x8192xf32>
    %dot_general3A = arith.constant dense<0.000000e+00> : vector<256x8192xf32>
    %dot_general3A_10 = tpu.matmul %get3A_1, %get3A_4, %dot_general3A {dimension_numbers = #tpu.dot_dimension_numbers<[1], [1], [0], [0], [0, 0, 1, 0], [], []>, transpose_lhs_hint = false} : vector<256x64xf32>, vector<8192x64xf32>, vector<256x8192xf32> -> vector<256x8192xf32>
    %add3A = vector.broadcast %broadcast_in_dim3A : vector<256x1xf32> to vector<256x8192xf32>
    %add3A_11 = vector.broadcast %transpose3A : vector<1x8192xf32> to vector<256x8192xf32>
    %add3A_12 = arith.addf %add3A, %add3A_11 : vector<256x8192xf32>
    %mul3A_13 = arith.constant 2.000000e+00 : f32
    %mul3A_14 = vector.broadcast %mul3A_13 : f32 to vector<256x8192xf32>
    %mul3A_15 = arith.mulf %mul3A_14, %dot_general3A_10 : vector<256x8192xf32>
    %sub3A = arith.subf %add3A_12, %mul3A_15 : vector<256x8192xf32>
    %swap3A = arith.constant 0 : index
    %swap3A_16 = arith.constant 0 : index
    %swap3A_17 = vector.load %arg3[%swap3A, %swap3A_16] : memref<256x8192xf32, #tpu.memory_space<vmem>>, vector<256x8192xf32>
    tpu.vector_store %arg3[%swap3A, %swap3A_16], %sub3A {strides = array<i32>} : memref<256x8192xf32, #tpu.memory_space<vmem>>, vector<256x8192xf32>,
    return
  }
  func.func @transform_0(%arg0: i32) -> (i32, i32) {
    %c0_i32 = arith.constant 0 : i32
    %c0_i32_0 = arith.constant 0 : i32
    return %arg0, %c0_i32 : i32, i32
  }
  func.func @transform_1(%arg0: i32) -> (i32, i32) {
    %c0_i32 = arith.constant 0 : i32
    %c0_i32_0 = arith.constant 0 : i32
    %c0_i32_1 = arith.constant 0 : i32
    return %c0_i32, %c0_i32_0 : i32, i32
  }
  func.func @transform_2(%arg0: i32) -> (i32, i32) {
    %c0_i32 = arith.constant 0 : i32
    %c0_i32_0 = arith.constant 0 : i32
    return %arg0, %c0_i32 : i32, i32
  }
}

</mosaic_0001>

<sc_bundles>
// kernel: sparse-core-data-format-call.1.cloned.1.call-start
scs
called_computation.1_lowered:
.L_overlay_start_0:
0x0: {  	s1 =	sld [smem:$0x3FD9]  }
0x1: {  	s2 =	sld [smem:$0x3FFE];
	_ =	sdelay $0x1  }
0x2: {  	s3 =	srdreg.scid  }
0x3: {  	s0 =	sand.u32 $0x1, s3  }
0x4: {  	s17 =	sshll.u32 s0, $0xA;
	s1 =	sadd.s32 s2, s1  }
0x5: {  	s1 =	sadd.s32 s1, s17  }
0x6: {  	[smem:$0x3FC6] =	sst s1  }
0x7: {  	_ = 	snop  }
0x8: {  	(tm) =	ssettm $0x1  }
0x9: {  	s18 =	sld [smem:$0x3FFB];
	_ =	sdelay $0x3  }
0xa: {  	_ =	strace s18  }
0xb: {  	s1 =	sld [smem:$0x3FFC];
	_ =	sdelay $0x3  }
0xc: {  	_ =	strace s1  }
0xd: {  	s1 =	sld [smem:$0x3FFD];
	_ =	sdelay $0x3  }
0xe: {  	_ =	strace s1  }
0xf: {  	_ =	strace $0x8FFFFFFF  }
0x10: {  	s19 =	sld [smem:$0x3FDB];
	_ =	sdelay $0x1  }
0x11: {  	s20 =	simm.s32 $_scs_section_size  }
0x12: {  	s4 =	simm.s32 $_size__tile_overlayer_lowered;
	s5 =	simm.s32 $_tile_overlayer_lowered  }
0x13: {  	s23 =	simm.s32 $0x1BFF;
	s22 =	sshll.u32 s5, $0x1;
	s1 =	sadd.s32 s20, s19  }
0x14: {  	s6 =	simm.s32 $0x0;
	s21 =	sshll.u32 s4, $0x1;
	s4 =	sadd.s32 s22, s1  }
0x15: {  	[timem:s6], [sflag:s23] =	dma.local [hbm:s4], s21  }
0x16: {  	_ =	swait.ge [sflag:s23], s21  }
0x17: {  	s2 =	ssub.s32 $0x0, s21;
	[sflag:s23] =	ssyncset.done $0x0  }
0x18: {  	[sflag:s23] =	ssyncadd.s32 s2;
	_ =	sdelay $0x1  }
0x19: {  	s24 =	simm.s32 $0x1B8B  }
0x1a: {  	_ =	swait.ge [sflag:s24], $0x1  }
0x1b: {  	[sflag:s24] =	ssyncset.done $0x0  }
0x1c: {  	s26 =	simm.s32 $0x1B8E;
	s25 =	sld [smem:$0x3FFE];
	[sflag:s24] =	ssyncadd.s32 $0xFFFFFFFF  }
0x1d: {  	s27 =	simm.s32 $execute0_lowered;
	[smem:$0x3FD2] =	sst s26  }
0x1e: {  	s4 =	sshll.u32 s27, $0x1;
	_ =	strace $0x80000049;
	[dreg:$0x1] =	wrdreg $0xFFFFFFFF  }
0x1f: {  	s28 =	simm.s32 $_size_execute0_lowered;
	s1 =	sadd.s32 s1, s4;
	[dreg:$0x0] =	wrdreg $0x0  }
0x20: {  	s4 =	sshll.u32 s28, $0x1;
	[dreg:$0x2] =	wrdreg s1  }
0x21: {  	[dreg:$0x3] =	wrdreg s4  }
0x22: {  	[dreg:$0x4] =	wrdreg $0xC0  }
0x23: {  	_ =	task [dreg:s6], $0x5FFFF  }
0x24: {  	[dreg:$0x1] =	wrdreg $0xFFFFFFFF  }
0x25: {  	[dreg:$0x0] =	wrdreg $0x60  }
0x26: {  	[dreg:$0x2] =	wrdreg s25  }
0x27: {  	[dreg:$0x3] =	wrdreg $0x9  }
0x28: {  	_ =	task.clear_ibuf [dreg:s6], $0x4FFFF;
	_ =	strace $0x90000049  }
0x29: {  	s29 =	simm.s32 $0x9;
	_ =	strace $0x8000004B  }
0x2a: {  	_ =	swait.ge [sflag:s29], $0x1  }
0x2b: {  	[sflag:s29] =	ssyncadd.s32 $0xFFFFFFFF  }
0x2c: {  	_ =	strace $0x9000004B  }
0x2d: {  	_ =	sfence  }
0x2e: {  	s30 =	sld [smem:$0x0];
	_ =	sdelay $0x2  }
0x2f: {  	s31 =	sshll.u32 s3, $0xD;
	s3 =	sshrl.u32 s3, $0x2  }
0x30: {  	s2 =	sand.u32 $0x4000, s31;
	s1 =	sadd.s32 s3, s30  }
0x31: {  	s0 =	sor.u32 s2, s0;
	s1 =	sshll.u32 s1, $0x11  }
0x32: {  	s0 =	sor.u32 s1, s0  }
0x33: {  	s0 =	sadd.s32 $0x8F2B, s0  }
0x34: {  	[sflag:s0] =	ssyncadd.remote.s32 $0x1  }
0x35: {  	_ =	sfence.sel $0xFFFF  }
0x36: {  	[dreg:$0x0] =	wrdreg $0xFFFFFFFF;
	(pc) =	sbr.abs _section_cstart, $3  }
0x37: {  	[dreg:$0x1] =	wrdreg $0xFFFFFFFF  }
0x38: {  	_ =	task.clear_ibuf [dreg:s6], $0x2FFFF;
	_ =	strace $0x9FFFFFFF  }
0x39: {  	(tm) =	ssettm $0x7FFFFFFF  }
tec
execute0_lowered:
.L_overlay_start_1:
0x0: {  	(tag) =	ssettag $0x1  }
0x1: {  	s0 =	srdreg.scid  }
0x2: {  	s1 =	sshll.u32 s0, $0x4  }
0x3: {  	s0 =	stileid.u32;
	s1 =	sand.u32 $0x10, s1  }
0x4: {  	s3 =	rddreg [dreg:$0x0];
	s5 =	simm.s32 $0x1;
	s1 =	sor.u32 s0, s1  }
0x5: {  	s7 =	simm.s32 $0x2;
	s13 =	simm.s32 $0x0;
	s2 =	sshll.u32 s1, $0x7  }
0x6: {  	s8 =	simm.s32 $0x80000;
	s12 =	simm.s32 $0x0;
	s4 =	ssub.s32 $0x2000, s2  }
0x7: {  	s9 =	simm.s32 $0x0;
	s1 =	rddreg [dreg:$0x1];
	s31 =	sand.u32 $0xF80, s4  }
.Ltmp0:
0x8: {  	_ =	strace $0x8000004A;
	p0 =	sne.s32 s31, $0x0;
	(pc) =	sbr.rel .LBB1_1-.Ltmp0, $4  }
0x9: {  	s6 =	sshrl.u32 s4, $0xC;
	s4 =	simm.s32 $0x1;
	s5 =	simm.s32 @!p0 $0x0  }
0xa: {  	s11 =	simm.s32 $0x0;
	[sflag:s4] =	ssyncpa.u1 $0x0;
	s5 =	sadd.s32 s5, s6  }
0xb: {  	s10 =	smov.u32 s2;
	[sflag:s7] =	ssyncpa.u1 $0x0;
	s5 =	sshll.u32 s5, $0x6  }
0xc: {  	p0 =	por $0x0, $0x0;
	s6 =	sadd.s32 $0xA00000, s3;
	s7 =	sor.u32 $0x1, s5  }
.LBB1_4:
0xd: {  	v5 =	vld [tilespmem:s16+$0xFFFFFFD0];
	[tilespmem:s17+$0x2040 ss:$0x81] =	vst.msk $0xffff, v1  }
0xe: {  	v58 =	vld [tilespmem:s16+$0xFFFFFFE0];
	[tilespmem:s17+$0x2850 ss:$0x81] =	vst.msk $0xffff, v2  }
0xf: {  	s18 =	sshra.s32 s18, $0x2;
	v59 =	vld [tilespmem:s16+$0xFFFFFFF0];
	[tilespmem:s17+$0x3060 ss:$0x81] =	vst.msk $0xffff, v3  }
0x10: {  	v60 =	vld [tilespmem:s16+$0x0];
	[tilespmem:s17+$0x0 ss:$0x81] =	vst.msk $0xffff, v0;
	s15 =	sadd.s32 s18, s15  }
0x11: {  	v61 =	vld [tilespmem:s16+$0x10];
	s26 =	sshll.u32 s13, $0xD;
	[tilespmem:s15+$0x3870 ss:$0x81] =	vst.msk $0xffff, v4  }
0x12: {  	v62 =	vld [tilespmem:s16+$0x20];
	s27 =	sand.u32 $0x78, s12;
	s19 =	sshll.u32 s12, $0x3;
	s29 =	sshll.u32 s13, $0x7;
	[tilespmem:s15+$0x810 ss:$0x81] =	vst.msk $0xffff, v5  }
0x13: {  	v63 =	vld [tilespmem:s16+$0xFFFFFFC0];
	s17 =	sand.u32 $0x70000, s26;
	s28 =	sand.u32 $0x7FC00, s19;
	s19 =	sand.u32 $0x1C00, s19;
	[tilespmem:s15+$0x1020 ss:$0x81] =	vst.msk $0xffff, v58  }
0x14: {  	s13 =	sand.u32 $0x380, s29;
	s16 =	sadd.s32 s28, s17;
	s30 =	sor.u32 s27, s19;
	[tilespmem:s15+$0x1830 ss:$0x81] =	vst.msk $0xffff, v59  }
0x15: {  	s16 =	sand.u32 $0x7E000, s16;
	s13 =	sor.u32 s13, s30;
	[tilespmem:s15+$0x2040 ss:$0x81] =	vst.msk $0xffff, v60  }
0x16: {  	s31 =	sand.u32 $0x7, s12;
	s13 =	sor.u32 s16, s13;
	[tilespmem:s15+$0x2850 ss:$0x81] =	vst.msk $0xffff, v61  }
0x17: {  	s12 =	sshll.u32 s31, $0x12;
	[tilespmem:s15+$0x3060 ss:$0x81] =	vst.msk $0xffff, v62;
	s13 =	sshrl.u32 s13, $0x3  }
0x18: {  	s12 =	sor.u32 $0x80, s12;
	[tilespmem:s15+$0x0 ss:$0x81] =	vst.msk $0xffff, v63;
	s13 =	sadd.s32 s3, s13  }
0x19: {  	[hbm4b:s13+s12] =	stream.strided.scatter [tilespmem:s14], [sflag:$0x2], $0x4000, s8, s12, $0x20;
	[tilespmem:$0x10100] =	vst v63  }
.LBB1_5:
0x1a: {  	s14 =	sadd.s32 $0x1, s9  }
0x1b: {  	s12 =	sadd.s32 $0x1000, s10;
	s16 =	smov.u32 s10;
	p2 =	sgt.s32 s14, $0x3F  }
0x1c: {  	s16 =	smov.u32 @p2 s12  }
0x1d: {  	s14 =	simm.s32 @p2 $0x0;
	p2 =	sgt.s32 s16, $0x1FFF  }
0x1e: {  	s16 =	smov.u32 @p2 s2;
	p2 =	sne.s32 s11, s7  }
.Ltmp1:
0x1f: {  	p1 =	slt.u32 s11, $0x2;
	(pc) =	sbr.rel @!p2 .LBB1_6-.Ltmp1, $4  }
0x20: {  	s15 =	simm.s32 @!p1 $0x2  }
0x21: {  	s13 =	smov.u32 s9;
	p0 =	por !p0, !p0;
	_ =	swait.ge @!p1 [sflag:s15], $0x4000  }
0x22: {  	s12 =	smov.u32 s10;
	[sflag:s15] =	ssyncset.done @!p1 $0x0;
	s9 =	smov.u32 s14  }
0x23: {  	s11 =	sadd.s32 $0x1, s11;
	[sflag:s15] =	ssyncadd.s32 @!p1 $0xFFFFC000;
	s10 =	smov.u32 s16  }
.LBB1_1:
0x24: {  	p1 =	sge.u32 s11, s5  }
0x25: {  	s31 =	sadd.s32 $0xFFFFFFFF, s11;
	s14 =	sxor.u32 @!p1 $0xFFFFFFFF, s11  }
0x26: {  	s15 =	sshll.u32 @!p1 s10, $0xA;
	s16 =	sshll.u32 @!p1 s9, $0x4;
	s17 =	simm.s32 @!p1 $0x2000  }
0x27: {  	s14 =	sshll.u32 @!p1 s14, $0xE;
	s16 =	sand.u32 @!p1 $0x3F0, s16;
	s15 =	sadd.s32 @!p1 s6, s15  }
0x28: {  	s14 =	sand.u32 @!p1 $0x4000, s14;
	s15 =	sadd.s32 @!p1 s16, s15;
	s16 =	simm.s32 @!p1 $0x80  }
0x29: {  	[tilespmem:s14], [sflag:$0x1] =	stream.strided.gather @!p1 [hbm4b:s15+s16], $0x4000, s17, s16, $0x38;
	[tilespmem:$0x10100] =	vst v63  }
0x2a: {  	p1 =	sge.u32 s31, s5  }
.Ltmp2:
0x2b: {  	_ = 	snop;
	(pc) =	sbr.rel @p1 .LBB1_5-.Ltmp2, $1  }
0x2c: {  	_ =	sdelay $0x3  }
0x2d: {  	s14 =	simm.s32 $0x1  }
0x2e: {  	_ =	swait.ge [sflag:s4], $0x4000;
	s14 =	simm.s32 @!p0 $0x0  }
0x2f: {  	[sflag:s4] =	ssyncset.done $0x0;
	s15 =	sshll.u32 s14, $0xE  }
0x30: {  	[sflag:s4] =	ssyncadd.s32 $0xFFFFC000;
	s16 =	sor.u32 $0x40, s15  }
0x31: {  	s14 =	smul.u32 $0x10200, s14;
	v0 =	vld [tilespmem:s16+$0x30]  }
0x32: {  	v3 =	vld [tilespmem:s16+$0xFFFFFFD0]  }
0x33: {  	s14 =	sshrl.u32 s14, $0x2;
	v4 =	vld [tilespmem:s16+$0xFFFFFFE0]  }
0x34: {  	v5 =	vld [tilespmem:s16+$0xFFFFFFF0];
	s15 =	sor.u32 $0x8000, s14  }
0x35: {  	s31 =	sand.u32 $0x1, s11;
	v1 =	vld [tilespmem:s16+$0x0];
	s17 =	sadd.s32 $0x0, s15  }
0x36: {  	v2 =	vld [tilespmem:s16+$0x10];
	s14 =	smul.u32 $0x10200, s31;
	[tilespmem:s17+$0x3870 ss:$0x81] =	vst.msk $0xffff, v0  }
0x37: {  	[tilespmem:s17+$0x810 ss:$0x81] =	vst.msk $0xffff, v3;
	v3 =	vld [tilespmem:s16+$0x20]  }
0x38: {  	s14 =	sshrl.u32 s14, $0x2;
	v0 =	vld [tilespmem:s16+$0xFFFFFFC0];
	[tilespmem:s17+$0x1020 ss:$0x81] =	vst.msk $0xffff, v4;
	s16 =	sadd.s32 $0x80, s16  }
0x39: {  	s18 =	simm.s32 $0x4;
	s19 =	simm.s32 $0x8;
	s14 =	sor.u32 $0x8000, s14;
	[tilespmem:s17+$0x1830 ss:$0x81] =	vst.msk $0xffff, v5;
	v4 =	vld [tilespmem:s16+$0x30]  }
.LBB1_3:
0x3a: {  	p1 =	sne.s32 s19, $0x1FC;
	v5 =	vld [tilespmem:s16+$0xFFFFFFD0];
	[tilespmem:s17+$0x2040 ss:$0x81] =	vst.msk $0xffff, v1  }
0x3b: {  	v6 =	vld [tilespmem:s16+$0xFFFFFFE0];
	[tilespmem:s17+$0x2850 ss:$0x81] =	vst.msk $0xffff, v2  }
0x3c: {  	s20 =	sshra.s32 s18, $0x2;
	s18 =	smov.u32 s19;
	v7 =	vld [tilespmem:s16+$0xFFFFFFF0];
	[tilespmem:s17+$0x3060 ss:$0x81] =	vst.msk $0xffff, v3  }
.Ltmp3:
0x3d: {  	v1 =	vld [tilespmem:s16+$0x0];
	[tilespmem:s17+$0x0 ss:$0x81] =	vst.msk $0xffff, v0;
	s17 =	sadd.s32 s20, s15;
	(pc) =	sbr.rel @p1 .LBB1_3-.Ltmp3, $4  }
0x3e: {  	v2 =	vld [tilespmem:s16+$0x10];
	[tilespmem:s17+$0x3870 ss:$0x81] =	vst.msk $0xffff, v4  }
0x3f: {  	[tilespmem:s17+$0x810 ss:$0x81] =	vst.msk $0xffff, v5;
	v3 =	vld [tilespmem:s16+$0x20]  }
0x40: {  	v0 =	vld [tilespmem:s16+$0xFFFFFFC0];
	[tilespmem:s17+$0x1020 ss:$0x81] =	vst.msk $0xffff, v6;
	s16 =	sadd.s32 $0x80, s16  }
0x41: {  	s19 =	sadd.s32 $0x4, s19;
	v4 =	vld [tilespmem:s16+$0x30];
	[tilespmem:s17+$0x1830 ss:$0x81] =	vst.msk $0xffff, v7  }
.Ltmp4:
0x42: {  	_ = 	snop;
	(pc) =	sbr.rel .LBB1_4-.Ltmp4, $1  }
0x43: {  	_ =	sdelay $0x3  }
.LBB1_6:
0x44: {  	_ =	sfence.sel $0x180000  }
0x45: {  	s2 =	simm.s32 $0x1;
	[bflag:$0x0] =	sbarrier.arrive $0xFFFF  }
0x46: {  	s31 =	simm.s32 $0x2;
	[sflag:s2] =	ssyncpa.u1 $0x1  }
0x47: {  	[sflag:s31] =	ssyncpa.u1 $0x1  }
0x48: {  	p0 =	sne.s32 s0, $0x0;
	_ =	strace $0x9000004A  }
0x49: {  	s0 =	sadd.s32 @!p0 $0x100000, s1;
	[bflag:$0x2] =	sbarrier.arrive $0xFFFF  }
0x4a: {  	[sflag:s0] =	ssyncadd.tile.s32 @!p0 $0x1;
	_ =	shalt  }
.Lfunc_end1:
_tile_overlayer_lowered:
.L_overlay_start_2:
0x4b: {  	(tag) =	ssettag $0x2  }
0x4c: {  	s0 =	rddreg [dreg:$0x0];
	s2 =	stileid.u32  }
0x4d: {  	s1 =	rddreg [dreg:$0x1];
	p0 =	sne.s32 s2, $0x0  }
0x4e: {  	s3 =	rddreg [dreg:$0x2];
	[bflag:$0x3] =	sbarrier.arrive $0xFFFF;
	s2 =	simm.s32 @!p0 $0x1C01  }
0x4f: {  	[timem:s3], [sflag:s2] =	dma.local @!p0 [hbm:s0], s1  }
0x50: {  	s0 =	simm.s32 @!p0 $0x1  }
0x51: {  	_ =	swait.ge @!p0 [sflag:s0], s1  }
0x52: {  	s1 =	ssub.s32 @!p0 $0x0, s1;
	[sflag:s0] =	ssyncset.done @!p0 $0x0  }
0x53: {  	[sflag:s0] =	ssyncadd.s32 @!p0 s1  }
0x54: {  	[bflag:$0x3] =	sbarrier.arrive $0xFFFF  }
0x55: {  	_ =	shalt  }

// kernel: sparse-core-data-format-call.2.cloned.1.call-start
scs
called_computation.2_lowered:
.L_overlay_start_0:
0x0: {  	s2 =	sld [smem:$0x3FD9]  }
0x1: {  	s3 =	sld [smem:$0x3FFE];
	_ =	sdelay $0x1  }
0x2: {  	s1 =	srdreg.scid  }
0x3: {  	s0 =	sand.u32 $0x1, s1  }
0x4: {  	s15 =	sshll.u32 s0, $0xA;
	s2 =	sadd.s32 s3, s2  }
0x5: {  	s2 =	sadd.s32 s2, s15  }
0x6: {  	[smem:$0x3FC6] =	sst s2  }
0x7: {  	_ = 	snop  }
0x8: {  	s2 =	sld [smem:$0x3FD0];
	_ =	sdelay $0x2  }
0x9: {  	s16 =	simm.s32 $0xA;
	s4 =	simm.s32 $0x10  }
0xa: {  	[smem:s4], [sflag:s16] =	dma.local [hbm:s2], $0x1  }
0xb: {  	_ =	swait.eq [sflag:s16], $0x1  }
0xc: {  	[sflag:s16] =	ssyncset.done $0x0  }
0xd: {  	[sflag:s16] =	ssyncadd.s32 $0xFFFFFFFF  }
0xe: {  	s17 =	sld [smem:$0x12];
	(tm) =	ssettm $0x1  }
0xf: {  	s18 =	sld [smem:$0x3FFB];
	_ =	sdelay $0x3  }
0x10: {  	_ =	strace s18  }
0x11: {  	s3 =	sld [smem:$0x3FFC];
	_ =	sdelay $0x3  }
0x12: {  	_ =	strace s3  }
0x13: {  	s3 =	sld [smem:$0x3FFD];
	_ =	sdelay $0x3  }
0x14: {  	_ =	strace s3  }
0x15: {  	_ =	strace $0x8FFFFFFF  }
0x16: {  	s19 =	sld [smem:$0x3FDB];
	_ =	sdelay $0x1  }
0x17: {  	s20 =	simm.s32 $_scs_section_size  }
0x18: {  	s5 =	simm.s32 $_size__tile_overlayer_lowered;
	s6 =	simm.s32 $_tile_overlayer_lowered  }
0x19: {  	s23 =	simm.s32 $0x1BFF;
	s22 =	sshll.u32 s6, $0x1;
	s3 =	sadd.s32 s20, s19  }
0x1a: {  	s7 =	simm.s32 $0x0;
	s21 =	sshll.u32 s5, $0x1;
	s5 =	sadd.s32 s22, s3  }
0x1b: {  	[timem:s7], [sflag:s23] =	dma.local [hbm:s5], s21  }
0x1c: {  	_ =	swait.ge [sflag:s23], s21  }
0x1d: {  	s4 =	ssub.s32 $0x0, s21;
	[sflag:s23] =	ssyncset.done $0x0  }
0x1e: {  	[sflag:s23] =	ssyncadd.s32 s4;
	_ =	sdelay $0x1  }
0x1f: {  	s24 =	simm.s32 $0x1B8B  }
0x20: {  	_ =	swait.ge [sflag:s24], $0x1  }
0x21: {  	[sflag:s24] =	ssyncset.done $0x0  }
0x22: {  	s26 =	simm.s32 $0x1B8E;
	s25 =	sld [smem:$0x3FFE];
	[sflag:s24] =	ssyncadd.s32 $0xFFFFFFFF  }
0x23: {  	s27 =	simm.s32 $execute0_lowered;
	[smem:$0x3FD2] =	sst s26  }
0x24: {  	s5 =	sshll.u32 s27, $0x1;
	_ =	strace $0x80000046;
	[dreg:$0x1] =	wrdreg $0xFFFFFFFF  }
0x25: {  	s28 =	simm.s32 $_size_execute0_lowered;
	s3 =	sadd.s32 s3, s5;
	[dreg:$0x0] =	wrdreg $0x0  }
0x26: {  	s5 =	sshll.u32 s28, $0x1;
	[dreg:$0x2] =	wrdreg s3  }
0x27: {  	[dreg:$0x3] =	wrdreg s5  }
0x28: {  	[dreg:$0x4] =	wrdreg $0xC0  }
0x29: {  	_ =	task [dreg:s7], $0x5FFFF  }
0x2a: {  	[dreg:$0x1] =	wrdreg $0xFFFFFFFF  }
0x2b: {  	[dreg:$0x0] =	wrdreg $0x60  }
0x2c: {  	[dreg:$0x2] =	wrdreg s17  }
0x2d: {  	[dreg:$0x3] =	wrdreg s25  }
0x2e: {  	[dreg:$0x4] =	wrdreg $0x9  }
0x2f: {  	_ =	task.clear_ibuf [dreg:s7], $0x5FFFF;
	_ =	strace $0x90000046  }
0x30: {  	s29 =	simm.s32 $0x9;
	_ =	strace $0x80000048  }
0x31: {  	_ =	swait.ge [sflag:s29], $0x1  }
0x32: {  	[sflag:s29] =	ssyncadd.s32 $0xFFFFFFFF  }
0x33: {  	_ =	strace $0x90000048  }
0x34: {  	_ =	sfence  }
0x35: {  	s30 =	sld [smem:$0x0];
	_ =	sdelay $0x2  }
0x36: {  	s31 =	sshll.u32 s1, $0xD;
	s1 =	sshrl.u32 s1, $0x2  }
0x37: {  	s3 =	sand.u32 $0x4000, s31;
	s1 =	sadd.s32 s1, s30  }
0x38: {  	s0 =	sor.u32 s3, s0;
	s1 =	sshll.u32 s1, $0x11  }
0x39: {  	s0 =	sor.u32 s1, s0  }
0x3a: {  	s0 =	sadd.s32 $0x8F2B, s0  }
0x3b: {  	[sflag:s0] =	ssyncadd.remote.s32 $0x1  }
0x3c: {  	_ =	sfence.sel $0xFFFF  }
0x3d: {  	[dreg:$0x0] =	wrdreg $0xFFFFFFFF;
	(pc) =	sbr.abs _section_cstart, $3  }
0x3e: {  	[dreg:$0x1] =	wrdreg $0xFFFFFFFF  }
0x3f: {  	_ =	task.clear_ibuf [dreg:s7], $0x2FFFF;
	_ =	strace $0x9FFFFFFF  }
0x40: {  	(tm) =	ssettm $0x7FFFFFFF  }
0x41: {  	_ =	shalt  }
tec
execute0_lowered:
.L_overlay_start_1:
0x0: {  	(tag) =	ssettag $0x1  }
0x1: {  	s0 =	srdreg.scid  }
0x2: {  	s1 =	sshll.u32 s0, $0x4  }
0x3: {  	s3 =	rddreg [dreg:$0x0];
	s0 =	stileid.u32;
	s1 =	sand.u32 $0x10, s1  }
0x4: {  	s4 =	rddreg [dreg:$0x1];
	s1 =	sor.u32 s0, s1  }
0x5: {  	s6 =	simm.s32 $0x1;
	s31 =	simm.s32 $0x2;
	s2 =	sshll.u32 s1, $0x7  }
0x6: {  	s13 =	simm.s32 $0x0;
	s8 =	simm.s32 $0x10000;
	s5 =	ssub.s32 $0x2000, s2  }
0x7: {  	s12 =	simm.s32 $0x0;
	s9 =	simm.s32 $0x0;
	s30 =	sand.u32 $0xF80, s5  }
.Ltmp0:
0x8: {  	s11 =	simm.s32 $0x0;
	p0 =	sne.s32 s30, $0x0;
	(pc) =	sbr.rel .LBB1_1-.Ltmp0, $4  }
0x9: {  	s1 =	rddreg [dreg:$0x2];
	s7 =	sshrl.u32 s5, $0xC;
	s6 =	simm.s32 @!p0 $0x0  }
0xa: {  	_ =	strace $0x80000047;
	s5 =	simm.s32 $0x1;
	s6 =	sadd.s32 s6, s7  }
0xb: {  	s10 =	smov.u32 s2;
	[sflag:s5] =	ssyncpa.u1 $0x0;
	s6 =	sshll.u32 s6, $0x6  }
0xc: {  	[sflag:s31] =	ssyncpa.u1 $0x0;
	p0 =	por $0x0, $0x0;
	s7 =	sor.u32 $0x1, s6  }
.LBB1_4:
0xd: {  	v5 =	vld [tilespmem:s16+$0xFFFFFFD0]  }
0xe: {  	[tilespmem:s17+$0x2040 ss:$0x81] =	vst.msk $0xffff, v1;
	v58 =	vld [tilespmem:s16+$0xFFFFFFE0]  }
0xf: {  	[tilespmem:s17+$0x2850 ss:$0x81] =	vst.msk $0xffff, v2;
	v59 =	vld [tilespmem:s16+$0xFFFFFFF0]  }
0x10: {  	s18 =	sshra.s32 s18, $0x2;
	[tilespmem:s17+$0x3060 ss:$0x81] =	vst.msk $0xffff, v3;
	v60 =	vld [tilespmem:s16+$0x0]  }
0x11: {  	[tilespmem:s17+$0x0 ss:$0x81] =	vst.msk $0xffff, v0;
	v61 =	vld [tilespmem:s16+$0x10];
	s15 =	sadd.s32 s18, s15  }
0x12: {  	s26 =	sshll.u32 s13, $0xD;
	v62 =	vld [tilespmem:s16+$0x20];
	[tilespmem:s15+$0x3870 ss:$0x81] =	vst.msk $0xffff, v4  }
0x13: {  	s27 =	sand.u32 $0x78, s12;
	s19 =	sshll.u32 s12, $0x3;
	v63 =	vld [tilespmem:s16+$0xFFFFFFC0];
	s29 =	sshll.u32 s13, $0x7;
	[tilespmem:s15+$0x810 ss:$0x81] =	vst.msk $0xffff, v5  }
0x14: {  	s17 =	sand.u32 $0x3FF0000, s26;
	s28 =	sand.u32 $0x3FFFC00, s19;
	s19 =	sand.u32 $0x1C00, s19;
	[tilespmem:s15+$0x1020 ss:$0x81] =	vst.msk $0xffff, v58  }
0x15: {  	s13 =	sand.u32 $0x380, s29;
	s16 =	sadd.s32 s28, s17;
	s30 =	sor.u32 s27, s19;
	[tilespmem:s15+$0x1830 ss:$0x81] =	vst.msk $0xffff, v59  }
0x16: {  	s16 =	sand.u32 $0x3FFE000, s16;
	s13 =	sor.u32 s13, s30;
	[tilespmem:s15+$0x2040 ss:$0x81] =	vst.msk $0xffff, v60  }
0x17: {  	s31 =	sand.u32 $0x7, s12;
	s13 =	sor.u32 s16, s13;
	[tilespmem:s15+$0x2850 ss:$0x81] =	vst.msk $0xffff, v61  }
0x18: {  	s12 =	sshll.u32 s31, $0x12;
	[tilespmem:s15+$0x3060 ss:$0x81] =	vst.msk $0xffff, v62;
	s13 =	sshrl.u32 s13, $0x3  }
0x19: {  	s12 =	sor.u32 $0x400, s12;
	[tilespmem:s15+$0x0 ss:$0x81] =	vst.msk $0xffff, v63;
	s13 =	sadd.s32 s4, s13  }
0x1a: {  	[hbm4b:s13+s12] =	stream.strided.scatter [tilespmem:s14], [sflag:$0x2], $0x4000, s8, s12, $0x20;
	[tilespmem:$0x10100] =	vst v63  }
.LBB1_5:
0x1b: {  	s14 =	sadd.s32 $0x80, s9  }
0x1c: {  	s12 =	sadd.s32 $0x1000, s10;
	s16 =	smov.u32 s10;
	p2 =	sgt.s32 s14, $0x1FFF  }
0x1d: {  	s16 =	smov.u32 @p2 s12  }
0x1e: {  	s14 =	simm.s32 @p2 $0x0;
	p2 =	sgt.s32 s16, $0x1FFF  }
0x1f: {  	s16 =	smov.u32 @p2 s2;
	p2 =	sne.s32 s11, s7  }
.Ltmp1:
0x20: {  	p1 =	slt.u32 s11, $0x2;
	(pc) =	sbr.rel @!p2 .LBB1_6-.Ltmp1, $4  }
0x21: {  	s15 =	simm.s32 @!p1 $0x2  }
0x22: {  	s13 =	smov.u32 s9;
	p0 =	por !p0, !p0;
	_ =	swait.ge @!p1 [sflag:s15], $0x4000  }
0x23: {  	s12 =	smov.u32 s10;
	[sflag:s15] =	ssyncset.done @!p1 $0x0;
	s9 =	smov.u32 s14  }
0x24: {  	s11 =	sadd.s32 $0x1, s11;
	[sflag:s15] =	ssyncadd.s32 @!p1 $0xFFFFC000;
	s10 =	smov.u32 s16  }
.LBB1_1:
0x25: {  	p1 =	sge.u32 s11, s6;
	s31 =	sadd.s32 $0xFFFFFFFF, s11  }
0x26: {  	s14 =	sand.u32 @!p1 $0x78, s9;
	s15 =	sshll.u32 @!p1 s10, $0xD;
	s16 =	sshll.u32 @!p1 s10, $0x7  }
0x27: {  	s17 =	sshll.u32 @!p1 s9, $0x3;
	s15 =	sand.u32 @!p1 $0x3FF0000, s15;
	s16 =	sand.u32 @!p1 $0x380, s16  }
0x28: {  	s15 =	sadd.s32 @!p1 s15, s17;
	s17 =	sand.u32 @!p1 $0x1C00, s17;
	s14 =	sor.u32 @!p1 s16, s14  }
0x29: {  	s16 =	sxor.u32 @!p1 $0xFFFFFFFF, s11;
	s15 =	sand.u32 @!p1 $0x3FFE000, s15;
	s14 =	sor.u32 @!p1 s17, s14  }
0x2a: {  	s16 =	sshll.u32 @!p1 s16, $0xE;
	s14 =	sor.u32 @!p1 s15, s14;
	s15 =	sand.u32 @!p1 $0x7, s9  }
0x2b: {  	s17 =	simm.s32 @!p1 $0x10000;
	s14 =	sshrl.u32 @!p1 s14, $0x3;
	s15 =	sshll.u32 @!p1 s15, $0x12  }
0x2c: {  	s16 =	sand.u32 @!p1 $0x4000, s16;
	s14 =	sadd.s32 @!p1 s3, s14;
	s15 =	sor.u32 @!p1 $0x400, s15  }
0x2d: {  	[tilespmem:s16], [sflag:$0x1] =	stream.strided.gather @!p1 [hbm4b:s14+s15], $0x4000, s17, s15, $0x38;
	[tilespmem:$0x10100] =	vst v63  }
0x2e: {  	p1 =	sge.u32 s31, s6  }
.Ltmp2:
0x2f: {  	_ = 	snop;
	(pc) =	sbr.rel @p1 .LBB1_5-.Ltmp2, $1  }
0x30: {  	_ =	sdelay $0x3  }
0x31: {  	s14 =	simm.s32 $0x1  }
0x32: {  	_ =	swait.ge [sflag:s5], $0x4000;
	s14 =	simm.s32 @!p0 $0x0  }
0x33: {  	[sflag:s5] =	ssyncset.done $0x0;
	s15 =	sshll.u32 s14, $0xE  }
0x34: {  	[sflag:s5] =	ssyncadd.s32 $0xFFFFC000;
	s16 =	sor.u32 $0x40, s15  }
0x35: {  	s14 =	smul.u32 $0x10200, s14;
	v0 =	vld [tilespmem:s16+$0x30]  }
0x36: {  	v3 =	vld [tilespmem:s16+$0xFFFFFFD0]  }
0x37: {  	s14 =	sshrl.u32 s14, $0x2;
	v4 =	vld [tilespmem:s16+$0xFFFFFFE0]  }
0x38: {  	v5 =	vld [tilespmem:s16+$0xFFFFFFF0];
	s15 =	sor.u32 $0x8000, s14  }
0x39: {  	s31 =	sand.u32 $0x1, s11;
	v1 =	vld [tilespmem:s16+$0x0];
	s17 =	sadd.s32 $0x0, s15  }
0x3a: {  	v2 =	vld [tilespmem:s16+$0x10];
	s14 =	smul.u32 $0x10200, s31;
	[tilespmem:s17+$0x3870 ss:$0x81] =	vst.msk $0xffff, v0  }
0x3b: {  	[tilespmem:s17+$0x810 ss:$0x81] =	vst.msk $0xffff, v3;
	v3 =	vld [tilespmem:s16+$0x20]  }
0x3c: {  	s14 =	sshrl.u32 s14, $0x2;
	v0 =	vld [tilespmem:s16+$0xFFFFFFC0];
	[tilespmem:s17+$0x1020 ss:$0x81] =	vst.msk $0xffff, v4;
	s16 =	sadd.s32 $0x80, s16  }
0x3d: {  	s18 =	simm.s32 $0x4;
	s19 =	simm.s32 $0x8;
	s14 =	sor.u32 $0x8000, s14;
	[tilespmem:s17+$0x1830 ss:$0x81] =	vst.msk $0xffff, v5;
	v4 =	vld [tilespmem:s16+$0x30]  }
.LBB1_3:
0x3e: {  	p1 =	sne.s32 s19, $0x1FC;
	v5 =	vld [tilespmem:s16+$0xFFFFFFD0];
	[tilespmem:s17+$0x2040 ss:$0x81] =	vst.msk $0xffff, v1  }
0x3f: {  	v6 =	vld [tilespmem:s16+$0xFFFFFFE0];
	[tilespmem:s17+$0x2850 ss:$0x81] =	vst.msk $0xffff, v2  }
0x40: {  	s20 =	sshra.s32 s18, $0x2;
	s18 =	smov.u32 s19;
	v7 =	vld [tilespmem:s16+$0xFFFFFFF0];
	[tilespmem:s17+$0x3060 ss:$0x81] =	vst.msk $0xffff, v3  }
.Ltmp3:
0x41: {  	v1 =	vld [tilespmem:s16+$0x0];
	[tilespmem:s17+$0x0 ss:$0x81] =	vst.msk $0xffff, v0;
	s17 =	sadd.s32 s20, s15;
	(pc) =	sbr.rel @p1 .LBB1_3-.Ltmp3, $4  }
0x42: {  	v2 =	vld [tilespmem:s16+$0x10];
	[tilespmem:s17+$0x3870 ss:$0x81] =	vst.msk $0xffff, v4  }
0x43: {  	[tilespmem:s17+$0x810 ss:$0x81] =	vst.msk $0xffff, v5;
	v3 =	vld [tilespmem:s16+$0x20]  }
0x44: {  	v0 =	vld [tilespmem:s16+$0xFFFFFFC0];
	[tilespmem:s17+$0x1020 ss:$0x81] =	vst.msk $0xffff, v6;
	s16 =	sadd.s32 $0x80, s16  }
0x45: {  	s19 =	sadd.s32 $0x4, s19;
	v4 =	vld [tilespmem:s16+$0x30];
	[tilespmem:s17+$0x1830 ss:$0x81] =	vst.msk $0xffff, v7  }
.Ltmp4:
0x46: {  	_ = 	snop;
	(pc) =	sbr.rel .LBB1_4-.Ltmp4, $1  }
0x47: {  	_ =	sdelay $0x3  }
.LBB1_6:
0x48: {  	_ =	sfence.sel $0x180000  }
0x49: {  	s2 =	simm.s32 $0x1;
	[bflag:$0x0] =	sbarrier.arrive $0xFFFF  }
0x4a: {  	s31 =	simm.s32 $0x2;
	[sflag:s2] =	ssyncpa.u1 $0x1  }
0x4b: {  	[sflag:s31] =	ssyncpa.u1 $0x1  }
0x4c: {  	p0 =	sne.s32 s0, $0x0;
	_ =	strace $0x90000047  }
0x4d: {  	s0 =	sadd.s32 @!p0 $0x100000, s1;
	[bflag:$0x2] =	sbarrier.arrive $0xFFFF  }
0x4e: {  	[sflag:s0] =	ssyncadd.tile.s32 @!p0 $0x1;
	_ =	shalt  }
.Lfunc_end1:
_tile_overlayer_lowered:
.L_overlay_start_2:
0x4f: {  	(tag) =	ssettag $0x2  }
0x50: {  	s0 =	rddreg [dreg:$0x0];
	s2 =	stileid.u32  }
0x51: {  	s1 =	rddreg [dreg:$0x1];
	p0 =	sne.s32 s2, $0x0  }
0x52: {  	s3 =	rddreg [dreg:$0x2];
	[bflag:$0x3] =	sbarrier.arrive $0xFFFF;
	s2 =	simm.s32 @!p0 $0x1C01  }
0x53: {  	[timem:s3], [sflag:s2] =	dma.local @!p0 [hbm:s0], s1  }
0x54: {  	s0 =	simm.s32 @!p0 $0x1  }
0x55: {  	_ =	swait.ge @!p0 [sflag:s0], s1  }
0x56: {  	s1 =	ssub.s32 @!p0 $0x0, s1;
	[sflag:s0] =	ssyncset.done @!p0 $0x0  }
0x57: {  	[sflag:s0] =	ssyncadd.s32 @!p0 s1  }
0x58: {  	[bflag:$0x3] =	sbarrier.arrive $0xFFFF  }
0x59: {  	_ =	shalt  }

// kernel: sparse-core-data-format-call.cloned.1.call-start
scs
called_computation_lowered:
.L_overlay_start_0:
0x0: {  	s2 =	sld [smem:$0x3FD9]  }
0x1: {  	s3 =	sld [smem:$0x3FFE];
	_ =	sdelay $0x1  }
0x2: {  	s1 =	srdreg.scid  }
0x3: {  	s0 =	sand.u32 $0x1, s1  }
0x4: {  	s15 =	sshll.u32 s0, $0xA;
	s2 =	sadd.s32 s3, s2  }
0x5: {  	s2 =	sadd.s32 s2, s15  }
0x6: {  	[smem:$0x3FC6] =	sst s2  }
0x7: {  	_ = 	snop  }
0x8: {  	s2 =	sld [smem:$0x3FD0];
	_ =	sdelay $0x2  }
0x9: {  	s16 =	simm.s32 $0xA;
	s4 =	simm.s32 $0x10  }
0xa: {  	[smem:s4], [sflag:s16] =	dma.local [hbm:s2], $0x1  }
0xb: {  	_ =	swait.eq [sflag:s16], $0x1  }
0xc: {  	[sflag:s16] =	ssyncset.done $0x0  }
0xd: {  	[sflag:s16] =	ssyncadd.s32 $0xFFFFFFFF  }
0xe: {  	s17 =	sld [smem:$0x12];
	(tm) =	ssettm $0x1  }
0xf: {  	s18 =	sld [smem:$0x3FFB];
	_ =	sdelay $0x3  }
0x10: {  	_ =	strace s18  }
0x11: {  	s3 =	sld [smem:$0x3FFC];
	_ =	sdelay $0x3  }
0x12: {  	_ =	strace s3  }
0x13: {  	s3 =	sld [smem:$0x3FFD];
	_ =	sdelay $0x3  }
0x14: {  	_ =	strace s3  }
0x15: {  	_ =	strace $0x8FFFFFFF  }
0x16: {  	s19 =	sld [smem:$0x3FDB];
	_ =	sdelay $0x1  }
0x17: {  	s20 =	simm.s32 $_scs_section_size  }
0x18: {  	s5 =	simm.s32 $_size__tile_overlayer_lowered;
	s6 =	simm.s32 $_tile_overlayer_lowered  }
0x19: {  	s23 =	simm.s32 $0x1BFF;
	s22 =	sshll.u32 s6, $0x1;
	s3 =	sadd.s32 s20, s19  }
0x1a: {  	s7 =	simm.s32 $0x0;
	s21 =	sshll.u32 s5, $0x1;
	s5 =	sadd.s32 s22, s3  }
0x1b: {  	[timem:s7], [sflag:s23] =	dma.local [hbm:s5], s21  }
0x1c: {  	_ =	swait.ge [sflag:s23], s21  }
0x1d: {  	s4 =	ssub.s32 $0x0, s21;
	[sflag:s23] =	ssyncset.done $0x0  }
0x1e: {  	[sflag:s23] =	ssyncadd.s32 s4;
	_ =	sdelay $0x1  }
0x1f: {  	s24 =	simm.s32 $0x1B8B  }
0x20: {  	_ =	swait.ge [sflag:s24], $0x1  }
0x21: {  	[sflag:s24] =	ssyncset.done $0x0  }
0x22: {  	s26 =	simm.s32 $0x1B8E;
	s25 =	sld [smem:$0x3FFE];
	[sflag:s24] =	ssyncadd.s32 $0xFFFFFFFF  }
0x23: {  	s27 =	simm.s32 $execute0_lowered;
	[smem:$0x3FD2] =	sst s26  }
0x24: {  	s5 =	sshll.u32 s27, $0x1;
	_ =	strace $0x8000004C;
	[dreg:$0x1] =	wrdreg $0xFFFFFFFF  }
0x25: {  	s28 =	simm.s32 $_size_execute0_lowered;
	s3 =	sadd.s32 s3, s5;
	[dreg:$0x0] =	wrdreg $0x0  }
0x26: {  	s5 =	sshll.u32 s28, $0x1;
	[dreg:$0x2] =	wrdreg s3  }
0x27: {  	[dreg:$0x3] =	wrdreg s5  }
0x28: {  	[dreg:$0x4] =	wrdreg $0xC0  }
0x29: {  	_ =	task [dreg:s7], $0x5FFFF  }
0x2a: {  	[dreg:$0x1] =	wrdreg $0xFFFFFFFF  }
0x2b: {  	[dreg:$0x0] =	wrdreg $0x60  }
0x2c: {  	[dreg:$0x2] =	wrdreg s17  }
0x2d: {  	[dreg:$0x3] =	wrdreg s25  }
0x2e: {  	[dreg:$0x4] =	wrdreg $0x9  }
0x2f: {  	_ =	task.clear_ibuf [dreg:s7], $0x5FFFF;
	_ =	strace $0x9000004C  }
0x30: {  	s29 =	simm.s32 $0x9;
	_ =	strace $0x8000004E  }
0x31: {  	_ =	swait.ge [sflag:s29], $0x1  }
0x32: {  	[sflag:s29] =	ssyncadd.s32 $0xFFFFFFFF  }
0x33: {  	_ =	strace $0x9000004E  }
0x34: {  	_ =	sfence  }
0x35: {  	s30 =	sld [smem:$0x0];
	_ =	sdelay $0x2  }
0x36: {  	s31 =	sshll.u32 s1, $0xD;
	s1 =	sshrl.u32 s1, $0x2  }
0x37: {  	s3 =	sand.u32 $0x4000, s31;
	s1 =	sadd.s32 s1, s30  }
0x38: {  	s0 =	sor.u32 s3, s0;
	s1 =	sshll.u32 s1, $0x11  }
0x39: {  	s0 =	sor.u32 s1, s0  }
0x3a: {  	s0 =	sadd.s32 $0x8F2B, s0  }
0x3b: {  	[sflag:s0] =	ssyncadd.remote.s32 $0x1  }
0x3c: {  	_ =	sfence.sel $0xFFFF  }
0x3d: {  	[dreg:$0x0] =	wrdreg $0xFFFFFFFF;
	(pc) =	sbr.abs _section_cstart, $3  }
0x3e: {  	[dreg:$0x1] =	wrdreg $0xFFFFFFFF  }
0x3f: {  	_ =	task.clear_ibuf [dreg:s7], $0x2FFFF;
	_ =	strace $0x9FFFFFFF  }
0x40: {  	(tm) =	ssettm $0x7FFFFFFF  }
0x41: {  	_ =	shalt  }
tec
execute0_lowered:
.L_overlay_start_1:
0x0: {  	(tag) =	ssettag $0x1  }
0x1: {  	s2 =	rddreg [dreg:$0x0]  }
0x2: {  	s3 =	rddreg [dreg:$0x1]  }
0x3: {  	s0 =	rddreg [dreg:$0x2];
	s1 =	srdreg.scid;
	_ =	strace $0x8000004D  }
0x4: {  	s6 =	simm.s32 $0x2;
	s11 =	simm.s32 $0x0;
	p0 =	por $0x0, $0x0  }
.Ltmp0:
0x5: {  	s13 =	simm.s32 $0x0;
	s12 =	simm.s32 $0x0;
	(pc) =	sbr.rel .LBB1_1-.Ltmp0, $4  }
0x6: {  	s8 =	simm.s32 $0x0;
	s10 =	simm.s32 $0x0;
	s4 =	sshll.u32 s1, $0x4  }
0x7: {  	s1 =	stileid.u32;
	s5 =	sand.u32 $0x10, s4;
	s4 =	simm.s32 $0x1  }
0x8: {  	s7 =	simm.s32 $0x0;
	s5 =	sor.u32 s1, s5;
	[sflag:s4] =	ssyncpa.u1 $0x0  }
0x9: {  	[sflag:s6] =	ssyncpa.u1 $0x0;
	s6 =	simm.s32 $0x2000;
	s9 =	smov.u32 s5  }
.LBB1_5:
0xa: {  	s14 =	sadd.s32 $0x80, s8  }
0xb: {  	s11 =	sadd.s32 $0x20, s9;
	s15 =	smov.u32 s9;
	p2 =	sgt.s32 s14, $0x1FFF  }
0xc: {  	s15 =	smov.u32 @p2 s11  }
0xd: {  	s17 =	smov.u32 s10;
	s11 =	sadd.s32 $0x80, s10;
	p3 =	sgt.s32 s15, $0x3F  }
0xe: {  	p1 =	slt.u32 s7, $0x2;
	s17 =	smov.u32 @p3 s11  }
0xf: {  	s7 =	sadd.s32 $0x1, s7;
	s14 =	simm.s32 @p2 $0x0;
	p2 =	sgt.s32 s17, $0x7F  }
0x10: {  	s17 =	simm.s32 @p2 $0x0;
	p2 =	sne.s32 s7, $0x82  }
.Ltmp1:
0x11: {  	s16 =	simm.s32 @!p1 $0x2;
	(pc) =	sbr.rel @!p2 .LBB1_6-.Ltmp1, $4  }
0x12: {  	s13 =	smov.u32 s9;
	_ =	swait.ge @!p1 [sflag:s16], $0x4000  }
0x13: {  	s12 =	smov.u32 s10;
	p0 =	por !p0, !p0;
	[sflag:s16] =	ssyncset.done @!p1 $0x0  }
0x14: {  	s15 =	smov.u32 @p3 s5;
	s11 =	smov.u32 s8;
	[sflag:s16] =	ssyncadd.s32 @!p1 $0xFFFFC000  }
0x15: {  	s8 =	smov.u32 s14;
	s9 =	smov.u32 s15;
	s10 =	smov.u32 s17  }
.LBB1_1:
0x16: {  	p1 =	sgt.u32 s7, $0x7F  }
0x17: {  	s14 =	sxor.u32 @!p1 $0xFFFFFFFF, s7;
	s15 =	sand.u32 @!p1 $0x78, s8;
	s16 =	sshll.u32 @!p1 s9, $0xD  }
0x18: {  	s17 =	sshll.u32 @!p1 s9, $0x7;
	s18 =	sshll.u32 @!p1 s8, $0x3;
	s14 =	sshll.u32 @!p1 s14, $0xE  }
0x19: {  	s16 =	sand.u32 @!p1 $0x70000, s16;
	s17 =	sand.u32 @!p1 $0x380, s17;
	s14 =	sand.u32 @!p1 $0x4000, s14  }
0x1a: {  	s16 =	sadd.s32 @!p1 s16, s18;
	s18 =	sand.u32 @!p1 $0x1C00, s18;
	s15 =	sor.u32 @!p1 s17, s15  }
0x1b: {  	s17 =	sshll.u32 @!p1 s10, $0x10;
	s15 =	sor.u32 @!p1 s18, s15;
	s16 =	sshrl.u32 @!p1 s16, $0x3  }
0x1c: {  	s17 =	sadd.s32 @!p1 s2, s17;
	s18 =	sand.u32 @!p1 $0x7, s8;
	s16 =	sand.u32 @!p1 $0xFC00, s16  }
0x1d: {  	s15 =	sshrl.u32 @!p1 s15, $0x3;
	s16 =	sadd.s32 @!p1 s16, s17;
	s17 =	sshll.u32 @!p1 s18, $0x12  }
0x1e: {  	s15 =	sadd.s32 @!p1 s15, s16;
	s16 =	sor.u32 @!p1 $0x80, s17;
	s17 =	simm.s32 @!p1 $0x80000  }
0x1f: {  	[tilespmem:s14], [sflag:$0x1] =	stream.strided.gather @!p1 [hbm4b:s15+s16], $0x4000, s17, s16, $0x38;
	[tilespmem:$0x10100] =	vst v63  }
0x20: {  	p1 =	seq.s32 s7, $0x0  }
0x21: {  	p2 =	seq.s32 @!p1 s7, $0x81  }
0x22: {  	p1 =	por p1, p2  }
.Ltmp2:
0x23: {  	_ = 	snop;
	(pc) =	sbr.rel @p1 .LBB1_5-.Ltmp2, $1  }
0x24: {  	_ =	sdelay $0x3  }
0x25: {  	s14 =	simm.s32 $0x1  }
0x26: {  	_ =	swait.ge [sflag:s4], $0x4000;
	s14 =	simm.s32 @!p0 $0x0  }
0x27: {  	[sflag:s4] =	ssyncset.done $0x0;
	s15 =	sshll.u32 s14, $0xE  }
0x28: {  	[sflag:s4] =	ssyncadd.s32 $0xFFFFC000;
	s16 =	sor.u32 $0x40, s15  }
0x29: {  	s14 =	smul.u32 $0x10200, s14;
	v0 =	vld [tilespmem:s16+$0x30]  }
0x2a: {  	v3 =	vld [tilespmem:s16+$0xFFFFFFD0]  }
0x2b: {  	s14 =	sshrl.u32 s14, $0x2;
	v4 =	vld [tilespmem:s16+$0xFFFFFFE0]  }
0x2c: {  	v5 =	vld [tilespmem:s16+$0xFFFFFFF0];
	s15 =	sor.u32 $0x8000, s14  }
0x2d: {  	s31 =	sand.u32 $0x1, s7;
	v1 =	vld [tilespmem:s16+$0x0];
	s17 =	sadd.s32 $0x0, s15  }
0x2e: {  	v2 =	vld [tilespmem:s16+$0x10];
	s14 =	smul.u32 $0x10200, s31;
	[tilespmem:s17+$0x3870 ss:$0x81] =	vst.msk $0xffff, v0  }
0x2f: {  	[tilespmem:s17+$0x810 ss:$0x81] =	vst.msk $0xffff, v3;
	v3 =	vld [tilespmem:s16+$0x20]  }
0x30: {  	s14 =	sshrl.u32 s14, $0x2;
	v0 =	vld [tilespmem:s16+$0xFFFFFFC0];
	[tilespmem:s17+$0x1020 ss:$0x81] =	vst.msk $0xffff, v4;
	s16 =	sadd.s32 $0x80, s16  }
0x31: {  	s18 =	simm.s32 $0x4;
	s19 =	simm.s32 $0x8;
	s14 =	sor.u32 $0x8000, s14;
	[tilespmem:s17+$0x1830 ss:$0x81] =	vst.msk $0xffff, v5;
	v4 =	vld [tilespmem:s16+$0x30]  }
.LBB1_3:
0x32: {  	p1 =	sne.s32 s19, $0x1FC;
	v5 =	vld [tilespmem:s16+$0xFFFFFFD0];
	[tilespmem:s17+$0x2040 ss:$0x81] =	vst.msk $0xffff, v1  }
0x33: {  	v6 =	vld [tilespmem:s16+$0xFFFFFFE0];
	[tilespmem:s17+$0x2850 ss:$0x81] =	vst.msk $0xffff, v2  }
0x34: {  	s20 =	sshra.s32 s18, $0x2;
	s18 =	smov.u32 s19;
	v7 =	vld [tilespmem:s16+$0xFFFFFFF0];
	[tilespmem:s17+$0x3060 ss:$0x81] =	vst.msk $0xffff, v3  }
.Ltmp3:
0x35: {  	v1 =	vld [tilespmem:s16+$0x0];
	[tilespmem:s17+$0x0 ss:$0x81] =	vst.msk $0xffff, v0;
	s17 =	sadd.s32 s20, s15;
	(pc) =	sbr.rel @p1 .LBB1_3-.Ltmp3, $4  }
0x36: {  	v2 =	vld [tilespmem:s16+$0x10];
	[tilespmem:s17+$0x3870 ss:$0x81] =	vst.msk $0xffff, v4  }
0x37: {  	[tilespmem:s17+$0x810 ss:$0x81] =	vst.msk $0xffff, v5;
	v3 =	vld [tilespmem:s16+$0x20]  }
0x38: {  	v0 =	vld [tilespmem:s16+$0xFFFFFFC0];
	[tilespmem:s17+$0x1020 ss:$0x81] =	vst.msk $0xffff, v6;
	s16 =	sadd.s32 $0x80, s16  }
0x39: {  	s19 =	sadd.s32 $0x4, s19;
	v4 =	vld [tilespmem:s16+$0x30];
	[tilespmem:s17+$0x1830 ss:$0x81] =	vst.msk $0xffff, v7  }
0x3a: {  	v5 =	vld [tilespmem:s16+$0xFFFFFFD0];
	[tilespmem:s17+$0x2040 ss:$0x81] =	vst.msk $0xffff, v1  }
0x3b: {  	v58 =	vld [tilespmem:s16+$0xFFFFFFE0];
	[tilespmem:s17+$0x2850 ss:$0x81] =	vst.msk $0xffff, v2  }
0x3c: {  	s18 =	sshra.s32 s18, $0x2;
	v59 =	vld [tilespmem:s16+$0xFFFFFFF0];
	[tilespmem:s17+$0x3060 ss:$0x81] =	vst.msk $0xffff, v3  }
0x3d: {  	v60 =	vld [tilespmem:s16+$0x0];
	s15 =	sadd.s32 s18, s15;
	[tilespmem:s17+$0x0 ss:$0x81] =	vst.msk $0xffff, v0  }
0x3e: {  	v61 =	vld [tilespmem:s16+$0x10];
	[tilespmem:s15+$0x3870 ss:$0x81] =	vst.msk $0xffff, v4  }
0x3f: {  	s13 =	sshll.u32 s13, $0x7;
	s27 =	sshll.u32 s12, $0x3;
	v62 =	vld [tilespmem:s16+$0x20];
	[tilespmem:s15+$0x810 ss:$0x81] =	vst.msk $0xffff, v5  }
0x40: {  	v63 =	vld [tilespmem:s16+$0xFFFFFFC0];
	s30 =	sshrl.u32 s12, $0x3;
	s28 =	sand.u32 $0x1C00, s13;
	s17 =	sand.u32 $0x1C00, s27;
	[tilespmem:s15+$0x1020 ss:$0x81] =	vst.msk $0xffff, v58  }
0x41: {  	s11 =	sshll.u32 s11, $0xA;
	s13 =	sand.u32 $0x380, s13;
	s29 =	sadd.s32 s17, s28;
	[tilespmem:s15+$0x1830 ss:$0x81] =	vst.msk $0xffff, v59  }
.Ltmp4:
0x42: {  	s16 =	sand.u32 $0xF, s30;
	s13 =	sor.u32 s13, s29;
	[tilespmem:s15+$0x2040 ss:$0x81] =	vst.msk $0xffff, v60;
	(pc) =	sbr.rel .LBB1_5-.Ltmp4, $4  }
0x43: {  	s31 =	sand.u32 $0x7, s12;
	s16 =	sadd.s32 s3, s16;
	[tilespmem:s15+$0x2850 ss:$0x81] =	vst.msk $0xffff, v61;
	s13 =	sshrl.u32 s13, $0x3  }
0x44: {  	s12 =	sshll.u32 s31, $0x12;
	s11 =	sadd.s32 s11, s16;
	[tilespmem:s15+$0x3060 ss:$0x81] =	vst.msk $0xffff, v62;
	s13 =	sand.u32 $0x3F0, s13  }
0x45: {  	s12 =	sor.u32 $0x80, s12;
	[tilespmem:s15+$0x0 ss:$0x81] =	vst.msk $0xffff, v63;
	s11 =	sadd.s32 s13, s11  }
0x46: {  	[hbm4b:s11+s12] =	stream.strided.scatter [tilespmem:s14], [sflag:$0x2], $0x4000, s6, s12, $0x20;
	[tilespmem:$0x10100] =	vst v63  }
.LBB1_6:
0x47: {  	_ =	sfence.sel $0x180000  }
0x48: {  	s2 =	simm.s32 $0x1;
	[bflag:$0x0] =	sbarrier.arrive $0xFFFF  }
0x49: {  	s31 =	simm.s32 $0x2;
	[sflag:s2] =	ssyncpa.u1 $0x1  }
0x4a: {  	[sflag:s31] =	ssyncpa.u1 $0x1  }
0x4b: {  	p0 =	sne.s32 s1, $0x0;
	_ =	strace $0x9000004D  }
0x4c: {  	s0 =	sadd.s32 @!p0 $0x100000, s0;
	[bflag:$0x2] =	sbarrier.arrive $0xFFFF  }
0x4d: {  	[sflag:s0] =	ssyncadd.tile.s32 @!p0 $0x1;
	_ =	shalt  }
.Lfunc_end1:
_tile_overlayer_lowered:
.L_overlay_start_2:
0x4e: {  	(tag) =	ssettag $0x2  }
0x4f: {  	s0 =	rddreg [dreg:$0x0];
	s2 =	stileid.u32  }
0x50: {  	s1 =	rddreg [dreg:$0x1];
	p0 =	sne.s32 s2, $0x0  }
0x51: {  	s3 =	rddreg [dreg:$0x2];
	[bflag:$0x3] =	sbarrier.arrive $0xFFFF;
	s2 =	simm.s32 @!p0 $0x1C01  }
0x52: {  	[timem:s3], [sflag:s2] =	dma.local @!p0 [hbm:s0], s1  }
0x53: {  	s0 =	simm.s32 @!p0 $0x1  }
0x54: {  	_ =	swait.ge @!p0 [sflag:s0], s1  }
0x55: {  	s1 =	ssub.s32 @!p0 $0x0, s1;
	[sflag:s0] =	ssyncset.done @!p0 $0x0  }
0x56: {  	[sflag:s0] =	ssyncadd.s32 @!p0 s1  }
0x57: {  	[bflag:$0x3] =	sbarrier.arrive $0xFFFF  }
0x58: {  	_ =	shalt  }

</sc_bundles>
